<compile_context>
chip_gen: v7x
topology: tpu7x:2x2x1
jax: 0.10.2.dev20260603
libtpu: 0.0.44.dev20260713+nightly
codegen_flags: <defaults>
</compile_context>

<pallas_src>
import functools
import jax
import jax.numpy as jnp
from jax import lax
from jax.experimental import pallas as pl
from jax.experimental.pallas import tpu as pltpu
from jax.experimental.pallas import tpu_sc as plsc

BLOCK = 32
CH = 16384
COPY_ONLY = True


def _sc_body(x_hbm, o_hbm, xin0, xin1, om0, om1, on0, on1, s_in, s_om, s_on):
    nc = 2
    wid = lax.axis_index("s") * nc + lax.axis_index("c")
    row_len = x_hbm.shape[1]
    n_chunks = row_len // CH
    xin = (xin0, xin1)
    om = (om0, om1)
    on = (on0, on1)

    iota = lax.iota(jnp.int32, 16)
    dnums = lax.GatherDimensionNumbers(
        offset_dims=(), collapsed_slice_dims=(0,), start_index_map=(0,)
    )

    def perm(t, idx):
        return lax.gather(
            t, idx[:, None], dnums, slice_sizes=(1,),
            mode=lax.GatherScatterMode.PROMISE_IN_BOUNDS,
        )

    def allsum(t):
        for k in (1, 2, 4, 8):
            t = t + perm(t, iota ^ k)
        return t

    def compute(xb, omb, onb):
        if COPY_ONLY:
            return

        def blk(i, _):
            b = i * BLOCK
            v0 = xb[pl.ds(b, 16)]
            v1 = xb[pl.ds(b + 16, 16)]
            e0 = jnp.exp(v0)
            e1 = jnp.exp(v1)
            n0 = 1.0 / e0
            n1 = 1.0 / e1
            rse = 1.0 / allsum(e0 + e1)
            rsn = 1.0 / allsum(n0 + n1)
            omb[pl.ds(b, 16)] = e0 * rse
            omb[pl.ds(b + 16, 16)] = e1 * rse
            onb[pl.ds(b, 16)] = n0 * rsn
            onb[pl.ds(b + 16, 16)] = n1 * rsn
            return 0

        lax.fori_loop(0, CH // BLOCK, blk, 0)

    def start_in(c, buf):
        pltpu.async_copy(x_hbm.at[wid, pl.ds(c * CH, CH)], xin[buf], s_in)

    def wait_in(buf):
        pltpu.make_async_copy(x_hbm.at[wid, pl.ds(0, CH)], xin[buf], s_in).wait()

    def start_out(c, buf):
        src_m = xin[buf] if COPY_ONLY else om[buf]
        src_n = xin[buf] if COPY_ONLY else on[buf]
        pltpu.async_copy(src_m, o_hbm.at[wid, 0, pl.ds(c * CH, CH)], s_om)
        pltpu.async_copy(src_n, o_hbm.at[wid, 1, pl.ds(c * CH, CH)], s_on)

    def wait_out(buf):
        src_m = xin[buf] if COPY_ONLY else om[buf]
        src_n = xin[buf] if COPY_ONLY else on[buf]
        pltpu.make_async_copy(src_m, o_hbm.at[wid, 0, pl.ds(0, CH)], s_om).wait()
        pltpu.make_async_copy(src_n, o_hbm.at[wid, 1, pl.ds(0, CH)], s_on).wait()

    start_in(0, 0)
    start_in(1, 1)

    @pl.loop(0, n_chunks, step=2)
    def _chunk(c0):
        for b in range(2):
            c = c0 + b
            wait_in(b)

            @pl.when(c >= 2)
            def _():
                wait_out(b)

            compute(xin[b], om[b], on[b])

            @pl.when(c + 2 < n_chunks)
            def _():
                start_in(c + 2, b)

            start_out(c, b)

    wait_out(0)
    wait_out(1)


def kernel(x):
    B, H, S, D = x.shape
    BH = B * H
    xf = x.reshape(BH, S * D)
    mesh = plsc.VectorSubcoreMesh(core_axis_name="c", subcore_axis_name="s")
    f = functools.partial(
        pl.kernel,
        mesh=mesh,
        out_type=jax.ShapeDtypeStruct((BH, 2, S * D), jnp.float32),
        scratch_types=[
            pltpu.VMEM((CH,), jnp.float32),
            pltpu.VMEM((CH,), jnp.float32),
            pltpu.VMEM((CH,), jnp.float32),
            pltpu.VMEM((CH,), jnp.float32),
            pltpu.VMEM((CH,), jnp.float32),
            pltpu.VMEM((CH,), jnp.float32),
            pltpu.SemaphoreType.DMA,
            pltpu.SemaphoreType.DMA,
            pltpu.SemaphoreType.DMA,
        ],
    )(_sc_body)
    out = f(xf)
    return out.reshape(B, H, 2 * S * D)

# --- scband reference (transcript-rebuilt; emitter-appended) ---
"""Pipeline reference for scband-tomaxmin-5025111736790 (READ-ONLY COPY).

The authoritative reference and input builder live on the scoring server;
editing this copy changes nothing except your own understanding.
"""

import jax, jax.numpy as jnp
import numpy as np

BLOCK = 32

def setup_inputs(seed: int = 0) -> dict:
    key = jax.random.key(seed)
    x = jax.random.normal(key, (2, 16, 4096, 128), dtype=jnp.float32)
    return {"x": x}

def reference(x):
    # mode='train' path of tomaxmin.forward (the differentiable branch)
    B, H, S, D = x.shape
    x_reshaped = x.reshape(B, H, S, -1, BLOCK)
    x_max = jax.nn.softmax(x_reshaped, axis=-1)
    x_min = jax.nn.softmax(-x_reshaped, axis=-1)
    x_max = x_max.reshape(B, H, -1)
    x_min = x_min.reshape(B, H, -1)
    return jnp.concatenate((x_max, x_min), axis=-1)

if __name__ == "__main__":
    import jax
    _d = setup_inputs()
    print(jax.jit(kernel)(*tuple(_d.values())))

</pallas_src>

<mosaic_0001>
#map = affine_map<(d0, d1) -> (0, 0)>
#map1 = affine_map<(d0, d1) -> (0, 0, 0)>
module attributes {stable_mosaic.version = 14 : i64} {
  func.func @_sc_body(%arg0: i32, %arg1: i32, %arg2: memref<32x524288xf32, #tpu.memory_space<hbm>>, %arg3: memref<32x2x524288xf32, #tpu.memory_space<hbm>>, %arg4: memref<16384xf32, #tpu.memory_space<vmem>>, %arg5: memref<16384xf32, #tpu.memory_space<vmem>>, %arg6: memref<16384xf32, #tpu.memory_space<vmem>>, %arg7: memref<16384xf32, #tpu.memory_space<vmem>>, %arg8: memref<16384xf32, #tpu.memory_space<vmem>>, %arg9: memref<16384xf32, #tpu.memory_space<vmem>>, %arg10: memref<!tpu.dma_semaphore, #tpu.memory_space<semaphore_mem>>, %arg11: memref<!tpu.dma_semaphore, #tpu.memory_space<semaphore_mem>>, %arg12: memref<!tpu.dma_semaphore, #tpu.memory_space<semaphore_mem>>) attributes {dimension_semantics = [#tpu.dimension_semantics<core_parallel>, #tpu.dimension_semantics<subcore_parallel>], iteration_bounds = array<i64: 2, 16>, scalar_prefetch = 0 : i64, scratch_operands = 9 : i64, tpu.core_type = #tpu.core_type<sc_vector_subcore>, window_params = [{transform_indices = #map}, {transform_indices = #map1}]} {
    %mul3A = arith.constant 2 : i32
    %mul3A_0 = arith.muli %arg1, %mul3A : i32
    %add3A = arith.addi %mul3A_0, %arg0 : i32
    %iota3A = tpu.iota {dimensions = array<i32: 0>} : vector<16xi32>
    %dma_start3A = arith.constant 0 : i32
    %dma_start3A_1 = tpu.memref_slice %arg2[%add3A, %dma_start3A] : memref<32x524288xf32, #tpu.memory_space<hbm>> -> memref<1x16384xf32, #tpu.memory_space<hbm>>
    %dma_start3A_2 = tpu.memref_squeeze %dma_start3A_1 : memref<1x16384xf32, #tpu.memory_space<hbm>> -> memref<16384xf32, #tpu.memory_space<hbm>>
    %dma_start3A_3 = arith.constant 0 : i32
    %dma_start3A_4 = tpu.memref_slice %arg2[%add3A, %dma_start3A_3] : memref<32x524288xf32, #tpu.memory_space<hbm>> -> memref<1x16384xf32, #tpu.memory_space<hbm>>
    %dma_start3A_5 = tpu.memref_squeeze %dma_start3A_4 : memref<1x16384xf32, #tpu.memory_space<hbm>> -> memref<16384xf32, #tpu.memory_space<hbm>>
    tpu.enqueue_dma source(%dma_start3A_5 : memref<16384xf32, #tpu.memory_space<hbm>>) target(%arg4 : memref<16384xf32, #tpu.memory_space<vmem>>) target_semaphore(%arg10 : memref<!tpu.dma_semaphore, #tpu.memory_space<semaphore_mem>>)
    %dma_start3A_6 = arith.constant 16384 : i32
    %dma_start3A_7 = tpu.memref_slice %arg2[%add3A, %dma_start3A_6] : memref<32x524288xf32, #tpu.memory_space<hbm>> -> memref<1x16384xf32, #tpu.memory_space<hbm>>
    %dma_start3A_8 = tpu.memref_squeeze %dma_start3A_7 : memref<1x16384xf32, #tpu.memory_space<hbm>> -> memref<16384xf32, #tpu.memory_space<hbm>>
    %dma_start3A_9 = arith.constant 16384 : i32
    %dma_start3A_10 = tpu.memref_slice %arg2[%add3A, %dma_start3A_9] : memref<32x524288xf32, #tpu.memory_space<hbm>> -> memref<1x16384xf32, #tpu.memory_space<hbm>>
    %dma_start3A_11 = tpu.memref_squeeze %dma_start3A_10 : memref<1x16384xf32, #tpu.memory_space<hbm>> -> memref<16384xf32, #tpu.memory_space<hbm>>
    tpu.enqueue_dma source(%dma_start3A_11 : memref<16384xf32, #tpu.memory_space<hbm>>) target(%arg5 : memref<16384xf32, #tpu.memory_space<vmem>>) target_semaphore(%arg10 : memref<!tpu.dma_semaphore, #tpu.memory_space<semaphore_mem>>)
    %scan3A = arith.constant 0 : i32
    %scan3A_12 = arith.constant 16 : i32
    %scan3A_13 = arith.addi %scan3A, %scan3A_12 : i32
    %scan3A_14 = arith.constant 1 : i32
    scf.for %scan3A_43 = %scan3A to %scan3A_13 step %scan3A_14  : i32 {
      %mul3A_44 = arith.constant 2 : i32
      %mul3A_45 = arith.muli %scan3A_43, %mul3A_44 : i32
      %add3A_46 = arith.constant 0 : i32
      %add3A_47 = arith.addi %add3A_46, %mul3A_45 : i32
      %add3A_48 = arith.constant 0 : i32
      %add3A_49 = arith.addi %add3A_47, %add3A_48 : i32
      %dma_wait3A_50 = arith.constant 0 : i32
      %dma_wait3A_51 = tpu.memref_slice %arg2[%add3A, %dma_wait3A_50] : memref<32x524288xf32, #tpu.memory_space<hbm>> -> memref<1x16384xf32, #tpu.memory_space<hbm>>
      %dma_wait3A_52 = tpu.memref_squeeze %dma_wait3A_51 : memref<1x16384xf32, #tpu.memory_space<hbm>> -> memref<16384xf32, #tpu.memory_space<hbm>>
      %dma_wait3A_53 = arith.constant 0 : i32
      %dma_wait3A_54 = tpu.memref_slice %arg2[%add3A, %dma_wait3A_53] : memref<32x524288xf32, #tpu.memory_space<hbm>> -> memref<1x16384xf32, #tpu.memory_space<hbm>>
      %dma_wait3A_55 = tpu.memref_squeeze %dma_wait3A_54 : memref<1x16384xf32, #tpu.memory_space<hbm>> -> memref<16384xf32, #tpu.memory_space<hbm>>
      tpu.wait_dma2 semaphore(%arg10 : memref<!tpu.dma_semaphore, #tpu.memory_space<semaphore_mem>>) src(%dma_wait3A_55 : memref<16384xf32, #tpu.memory_space<hbm>>) dst(%arg4 : memref<16384xf32, #tpu.memory_space<vmem>>)
      %ge3A = arith.constant 2 : i32
      %ge3A_56 = arith.cmpi sge, %add3A_49, %ge3A : i32
      %convert_element_type3A = arith.extui %ge3A_56 : i1 to i32
      %cond3A = arith.constant 0 : i32
      %cond3A_57 = arith.cmpi ne, %convert_element_type3A, %cond3A : i32
      scf.if %cond3A_57 {
        %dma_wait3A_112 = arith.constant 0 : i32
        %dma_wait3A_113 = arith.constant 0 : i32
        %dma_wait3A_114 = tpu.memref_slice %arg3[%add3A, %dma_wait3A_112, %dma_wait3A_113] : memref<32x2x524288xf32, #tpu.memory_space<hbm>> -> memref<1x1x16384xf32, #tpu.memory_space<hbm>>
        %dma_wait3A_115 = tpu.memref_squeeze %dma_wait3A_114 : memref<1x1x16384xf32, #tpu.memory_space<hbm>> -> memref<16384xf32, #tpu.memory_space<hbm>>
        %dma_wait3A_116 = arith.constant 0 : i32
        %dma_wait3A_117 = tpu.memref_slice %arg3[%add3A, %dma_wait3A_112, %dma_wait3A_116] : memref<32x2x524288xf32, #tpu.memory_space<hbm>> -> memref<1x1x16384xf32, #tpu.memory_space<hbm>>
        %dma_wait3A_118 = tpu.memref_squeeze %dma_wait3A_117 : memref<1x1x16384xf32, #tpu.memory_space<hbm>> -> memref<16384xf32, #tpu.memory_space<hbm>>
        tpu.wait_dma2 semaphore(%arg11 : memref<!tpu.dma_semaphore, #tpu.memory_space<semaphore_mem>>) src(%arg4 : memref<16384xf32, #tpu.memory_space<vmem>>) dst(%dma_wait3A_118 : memref<16384xf32, #tpu.memory_space<hbm>>)
        %dma_wait3A_119 = arith.constant 1 : i32
        %dma_wait3A_120 = arith.constant 0 : i32
        %dma_wait3A_121 = tpu.memref_slice %arg3[%add3A, %dma_wait3A_119, %dma_wait3A_120] : memref<32x2x524288xf32, #tpu.memory_space<hbm>> -> memref<1x1x16384xf32, #tpu.memory_space<hbm>>
        %dma_wait3A_122 = tpu.memref_squeeze %dma_wait3A_121 : memref<1x1x16384xf32, #tpu.memory_space<hbm>> -> memref<16384xf32, #tpu.memory_space<hbm>>
        %dma_wait3A_123 = arith.constant 0 : i32
        %dma_wait3A_124 = tpu.memref_slice %arg3[%add3A, %dma_wait3A_119, %dma_wait3A_123] : memref<32x2x524288xf32, #tpu.memory_space<hbm>> -> memref<1x1x16384xf32, #tpu.memory_space<hbm>>
        %dma_wait3A_125 = tpu.memref_squeeze %dma_wait3A_124 : memref<1x1x16384xf32, #tpu.memory_space<hbm>> -> memref<16384xf32, #tpu.memory_space<hbm>>
        tpu.wait_dma2 semaphore(%arg12 : memref<!tpu.dma_semaphore, #tpu.memory_space<semaphore_mem>>) src(%arg4 : memref<16384xf32, #tpu.memory_space<vmem>>) dst(%dma_wait3A_125 : memref<16384xf32, #tpu.memory_space<hbm>>)
      } else {
      }
      %add3A_58 = arith.constant 2 : i32
      %add3A_59 = arith.addi %add3A_49, %add3A_58 : i32
      %lt3A = arith.constant 32 : i32
      %lt3A_60 = arith.cmpi slt, %add3A_59, %lt3A : i32
      %convert_element_type3A_61 = arith.extui %lt3A_60 : i1 to i32
      %cond3A_62 = arith.constant 0 : i32
      %cond3A_63 = arith.cmpi ne, %convert_element_type3A_61, %cond3A_62 : i32
      scf.if %cond3A_63 {
        %add3A_112 = arith.constant 2 : i32
        %add3A_113 = arith.addi %add3A_49, %add3A_112 : i32
        %mul3A_114 = arith.constant 16384 : i32
        %mul3A_115 = arith.muli %add3A_113, %mul3A_114 : i32
        %dma_start3A_116 = tpu.memref_slice %arg2[%add3A, %mul3A_115] : memref<32x524288xf32, #tpu.memory_space<hbm>> -> memref<1x16384xf32, #tpu.memory_space<hbm>>
        %dma_start3A_117 = tpu.memref_squeeze %dma_start3A_116 : memref<1x16384xf32, #tpu.memory_space<hbm>> -> memref<16384xf32, #tpu.memory_space<hbm>>
        %dma_start3A_118 = tpu.memref_slice %arg2[%add3A, %mul3A_115] : memref<32x524288xf32, #tpu.memory_space<hbm>> -> memref<1x16384xf32, #tpu.memory_space<hbm>>
        %dma_start3A_119 = tpu.memref_squeeze %dma_start3A_118 : memref<1x16384xf32, #tpu.memory_space<hbm>> -> memref<16384xf32, #tpu.memory_space<hbm>>
        tpu.enqueue_dma source(%dma_start3A_119 : memref<16384xf32, #tpu.memory_space<hbm>>) target(%arg4 : memref<16384xf32, #tpu.memory_space<vmem>>) target_semaphore(%arg10 : memref<!tpu.dma_semaphore, #tpu.memory_space<semaphore_mem>>)
      } else {
      }
      %mul3A_64 = arith.constant 16384 : i32
      %mul3A_65 = arith.muli %add3A_49, %mul3A_64 : i32
      %dma_start3A_66 = arith.constant 0 : i32
      %dma_start3A_67 = tpu.memref_slice %arg3[%add3A, %dma_start3A_66, %mul3A_65] : memref<32x2x524288xf32, #tpu.memory_space<hbm>> -> memref<1x1x16384xf32, #tpu.memory_space<hbm>>
      %dma_start3A_68 = tpu.memref_squeeze %dma_start3A_67 : memref<1x1x16384xf32, #tpu.memory_space<hbm>> -> memref<16384xf32, #tpu.memory_space<hbm>>
      %dma_start3A_69 = tpu.memref_slice %arg3[%add3A, %dma_start3A_66, %mul3A_65] : memref<32x2x524288xf32, #tpu.memory_space<hbm>> -> memref<1x1x16384xf32, #tpu.memory_space<hbm>>
      %dma_start3A_70 = tpu.memref_squeeze %dma_start3A_69 : memref<1x1x16384xf32, #tpu.memory_space<hbm>> -> memref<16384xf32, #tpu.memory_space<hbm>>
      tpu.enqueue_dma source(%arg4 : memref<16384xf32, #tpu.memory_space<vmem>>) target(%dma_start3A_70 : memref<16384xf32, #tpu.memory_space<hbm>>) target_semaphore(%arg11 : memref<!tpu.dma_semaphore, #tpu.memory_space<semaphore_mem>>)
      %mul3A_71 = arith.constant 16384 : i32
      %mul3A_72 = arith.muli %add3A_49, %mul3A_71 : i32
      %dma_start3A_73 = arith.constant 1 : i32
      %dma_start3A_74 = tpu.memref_slice %arg3[%add3A, %dma_start3A_73, %mul3A_72] : memref<32x2x524288xf32, #tpu.memory_space<hbm>> -> memref<1x1x16384xf32, #tpu.memory_space<hbm>>
      %dma_start3A_75 = tpu.memref_squeeze %dma_start3A_74 : memref<1x1x16384xf32, #tpu.memory_space<hbm>> -> memref<16384xf32, #tpu.memory_space<hbm>>
      %dma_start3A_76 = tpu.memref_slice %arg3[%add3A, %dma_start3A_73, %mul3A_72] : memref<32x2x524288xf32, #tpu.memory_space<hbm>> -> memref<1x1x16384xf32, #tpu.memory_space<hbm>>
      %dma_start3A_77 = tpu.memref_squeeze %dma_start3A_76 : memref<1x1x16384xf32, #tpu.memory_space<hbm>> -> memref<16384xf32, #tpu.memory_space<hbm>>
      tpu.enqueue_dma source(%arg4 : memref<16384xf32, #tpu.memory_space<vmem>>) target(%dma_start3A_77 : memref<16384xf32, #tpu.memory_space<hbm>>) target_semaphore(%arg12 : memref<!tpu.dma_semaphore, #tpu.memory_space<semaphore_mem>>)
      %add3A_78 = arith.constant 1 : i32
      %add3A_79 = arith.addi %add3A_47, %add3A_78 : i32
      %dma_wait3A_80 = arith.constant 0 : i32
      %dma_wait3A_81 = tpu.memref_slice %arg2[%add3A, %dma_wait3A_80] : memref<32x524288xf32, #tpu.memory_space<hbm>> -> memref<1x16384xf32, #tpu.memory_space<hbm>>
      %dma_wait3A_82 = tpu.memref_squeeze %dma_wait3A_81 : memref<1x16384xf32, #tpu.memory_space<hbm>> -> memref<16384xf32, #tpu.memory_space<hbm>>
      %dma_wait3A_83 = arith.constant 0 : i32
      %dma_wait3A_84 = tpu.memref_slice %arg2[%add3A, %dma_wait3A_83] : memref<32x524288xf32, #tpu.memory_space<hbm>> -> memref<1x16384xf32, #tpu.memory_space<hbm>>
      %dma_wait3A_85 = tpu.memref_squeeze %dma_wait3A_84 : memref<1x16384xf32, #tpu.memory_space<hbm>> -> memref<16384xf32, #tpu.memory_space<hbm>>
      tpu.wait_dma2 semaphore(%arg10 : memref<!tpu.dma_semaphore, #tpu.memory_space<semaphore_mem>>) src(%dma_wait3A_85 : memref<16384xf32, #tpu.memory_space<hbm>>) dst(%arg5 : memref<16384xf32, #tpu.memory_space<vmem>>)
      %ge3A_86 = arith.constant 2 : i32
      %ge3A_87 = arith.cmpi sge, %add3A_79, %ge3A_86 : i32
      %convert_element_type3A_88 = arith.extui %ge3A_87 : i1 to i32
      %cond3A_89 = arith.constant 0 : i32
      %cond3A_90 = arith.cmpi ne, %convert_element_type3A_88, %cond3A_89 : i32
      scf.if %cond3A_90 {
        %dma_wait3A_112 = arith.constant 0 : i32
        %dma_wait3A_113 = arith.constant 0 : i32
        %dma_wait3A_114 = tpu.memref_slice %arg3[%add3A, %dma_wait3A_112, %dma_wait3A_113] : memref<32x2x524288xf32, #tpu.memory_space<hbm>> -> memref<1x1x16384xf32, #tpu.memory_space<hbm>>
        %dma_wait3A_115 = tpu.memref_squeeze %dma_wait3A_114 : memref<1x1x16384xf32, #tpu.memory_space<hbm>> -> memref<16384xf32, #tpu.memory_space<hbm>>
        %dma_wait3A_116 = arith.constant 0 : i32
        %dma_wait3A_117 = tpu.memref_slice %arg3[%add3A, %dma_wait3A_112, %dma_wait3A_116] : memref<32x2x524288xf32, #tpu.memory_space<hbm>> -> memref<1x1x16384xf32, #tpu.memory_space<hbm>>
        %dma_wait3A_118 = tpu.memref_squeeze %dma_wait3A_117 : memref<1x1x16384xf32, #tpu.memory_space<hbm>> -> memref<16384xf32, #tpu.memory_space<hbm>>
        tpu.wait_dma2 semaphore(%arg11 : memref<!tpu.dma_semaphore, #tpu.memory_space<semaphore_mem>>) src(%arg5 : memref<16384xf32, #tpu.memory_space<vmem>>) dst(%dma_wait3A_118 : memref<16384xf32, #tpu.memory_space<hbm>>)
        %dma_wait3A_119 = arith.constant 1 : i32
        %dma_wait3A_120 = arith.constant 0 : i32
        %dma_wait3A_121 = tpu.memref_slice %arg3[%add3A, %dma_wait3A_119, %dma_wait3A_120] : memref<32x2x524288xf32, #tpu.memory_space<hbm>> -> memref<1x1x16384xf32, #tpu.memory_space<hbm>>
        %dma_wait3A_122 = tpu.memref_squeeze %dma_wait3A_121 : memref<1x1x16384xf32, #tpu.memory_space<hbm>> -> memref<16384xf32, #tpu.memory_space<hbm>>
        %dma_wait3A_123 = arith.constant 0 : i32
        %dma_wait3A_124 = tpu.memref_slice %arg3[%add3A, %dma_wait3A_119, %dma_wait3A_123] : memref<32x2x524288xf32, #tpu.memory_space<hbm>> -> memref<1x1x16384xf32, #tpu.memory_space<hbm>>
        %dma_wait3A_125 = tpu.memref_squeeze %dma_wait3A_124 : memref<1x1x16384xf32, #tpu.memory_space<hbm>> -> memref<16384xf32, #tpu.memory_space<hbm>>
        tpu.wait_dma2 semaphore(%arg12 : memref<!tpu.dma_semaphore, #tpu.memory_space<semaphore_mem>>) src(%arg5 : memref<16384xf32, #tpu.memory_space<vmem>>) dst(%dma_wait3A_125 : memref<16384xf32, #tpu.memory_space<hbm>>)
      } else {
      }
      %add3A_91 = arith.constant 2 : i32
      %add3A_92 = arith.addi %add3A_79, %add3A_91 : i32
      %lt3A_93 = arith.constant 32 : i32
      %lt3A_94 = arith.cmpi slt, %add3A_92, %lt3A_93 : i32
      %convert_element_type3A_95 = arith.extui %lt3A_94 : i1 to i32
      %cond3A_96 = arith.constant 0 : i32
      %cond3A_97 = arith.cmpi ne, %convert_element_type3A_95, %cond3A_96 : i32
      scf.if %cond3A_97 {
        %add3A_112 = arith.constant 2 : i32
        %add3A_113 = arith.addi %add3A_79, %add3A_112 : i32
        %mul3A_114 = arith.constant 16384 : i32
        %mul3A_115 = arith.muli %add3A_113, %mul3A_114 : i32
        %dma_start3A_116 = tpu.memref_slice %arg2[%add3A, %mul3A_115] : memref<32x524288xf32, #tpu.memory_space<hbm>> -> memref<1x16384xf32, #tpu.memory_space<hbm>>
        %dma_start3A_117 = tpu.memref_squeeze %dma_start3A_116 : memref<1x16384xf32, #tpu.memory_space<hbm>> -> memref<16384xf32, #tpu.memory_space<hbm>>
        %dma_start3A_118 = tpu.memref_slice %arg2[%add3A, %mul3A_115] : memref<32x524288xf32, #tpu.memory_space<hbm>> -> memref<1x16384xf32, #tpu.memory_space<hbm>>
        %dma_start3A_119 = tpu.memref_squeeze %dma_start3A_118 : memref<1x16384xf32, #tpu.memory_space<hbm>> -> memref<16384xf32, #tpu.memory_space<hbm>>
        tpu.enqueue_dma source(%dma_start3A_119 : memref<16384xf32, #tpu.memory_space<hbm>>) target(%arg5 : memref<16384xf32, #tpu.memory_space<vmem>>) target_semaphore(%arg10 : memref<!tpu.dma_semaphore, #tpu.memory_space<semaphore_mem>>)
      } else {
      }
      %mul3A_98 = arith.constant 16384 : i32
      %mul3A_99 = arith.muli %add3A_79, %mul3A_98 : i32
      %dma_start3A_100 = arith.constant 0 : i32
      %dma_start3A_101 = tpu.memref_slice %arg3[%add3A, %dma_start3A_100, %mul3A_99] : memref<32x2x524288xf32, #tpu.memory_space<hbm>> -> memref<1x1x16384xf32, #tpu.memory_space<hbm>>
      %dma_start3A_102 = tpu.memref_squeeze %dma_start3A_101 : memref<1x1x16384xf32, #tpu.memory_space<hbm>> -> memref<16384xf32, #tpu.memory_space<hbm>>
      %dma_start3A_103 = tpu.memref_slice %arg3[%add3A, %dma_start3A_100, %mul3A_99] : memref<32x2x524288xf32, #tpu.memory_space<hbm>> -> memref<1x1x16384xf32, #tpu.memory_space<hbm>>
      %dma_start3A_104 = tpu.memref_squeeze %dma_start3A_103 : memref<1x1x16384xf32, #tpu.memory_space<hbm>> -> memref<16384xf32, #tpu.memory_space<hbm>>
      tpu.enqueue_dma source(%arg5 : memref<16384xf32, #tpu.memory_space<vmem>>) target(%dma_start3A_104 : memref<16384xf32, #tpu.memory_space<hbm>>) target_semaphore(%arg11 : memref<!tpu.dma_semaphore, #tpu.memory_space<semaphore_mem>>)
      %mul3A_105 = arith.constant 16384 : i32
      %mul3A_106 = arith.muli %add3A_79, %mul3A_105 : i32
      %dma_start3A_107 = arith.constant 1 : i32
      %dma_start3A_108 = tpu.memref_slice %arg3[%add3A, %dma_start3A_107, %mul3A_106] : memref<32x2x524288xf32, #tpu.memory_space<hbm>> -> memref<1x1x16384xf32, #tpu.memory_space<hbm>>
      %dma_start3A_109 = tpu.memref_squeeze %dma_start3A_108 : memref<1x1x16384xf32, #tpu.memory_space<hbm>> -> memref<16384xf32, #tpu.memory_space<hbm>>
      %dma_start3A_110 = tpu.memref_slice %arg3[%add3A, %dma_start3A_107, %mul3A_106] : memref<32x2x524288xf32, #tpu.memory_space<hbm>> -> memref<1x1x16384xf32, #tpu.memory_space<hbm>>
      %dma_start3A_111 = tpu.memref_squeeze %dma_start3A_110 : memref<1x1x16384xf32, #tpu.memory_space<hbm>> -> memref<16384xf32, #tpu.memory_space<hbm>>
      tpu.enqueue_dma source(%arg5 : memref<16384xf32, #tpu.memory_space<vmem>>) target(%dma_start3A_111 : memref<16384xf32, #tpu.memory_space<hbm>>) target_semaphore(%arg12 : memref<!tpu.dma_semaphore, #tpu.memory_space<semaphore_mem>>)
    }
    %scan3A_15 = arith.constant 16 : i32
    %dma_wait3A = arith.constant 0 : i32
    %dma_wait3A_16 = arith.constant 0 : i32
    %dma_wait3A_17 = tpu.memref_slice %arg3[%add3A, %dma_wait3A, %dma_wait3A_16] : memref<32x2x524288xf32, #tpu.memory_space<hbm>> -> memref<1x1x16384xf32, #tpu.memory_space<hbm>>
    %dma_wait3A_18 = tpu.memref_squeeze %dma_wait3A_17 : memref<1x1x16384xf32, #tpu.memory_space<hbm>> -> memref<16384xf32, #tpu.memory_space<hbm>>
    %dma_wait3A_19 = arith.constant 0 : i32
    %dma_wait3A_20 = tpu.memref_slice %arg3[%add3A, %dma_wait3A, %dma_wait3A_19] : memref<32x2x524288xf32, #tpu.memory_space<hbm>> -> memref<1x1x16384xf32, #tpu.memory_space<hbm>>
    %dma_wait3A_21 = tpu.memref_squeeze %dma_wait3A_20 : memref<1x1x16384xf32, #tpu.memory_space<hbm>> -> memref<16384xf32, #tpu.memory_space<hbm>>
    tpu.wait_dma2 semaphore(%arg11 : memref<!tpu.dma_semaphore, #tpu.memory_space<semaphore_mem>>) src(%arg4 : memref<16384xf32, #tpu.memory_space<vmem>>) dst(%dma_wait3A_21 : memref<16384xf32, #tpu.memory_space<hbm>>)
    %dma_wait3A_22 = arith.constant 1 : i32
    %dma_wait3A_23 = arith.constant 0 : i32
    %dma_wait3A_24 = tpu.memref_slice %arg3[%add3A, %dma_wait3A_22, %dma_wait3A_23] : memref<32x2x524288xf32, #tpu.memory_space<hbm>> -> memref<1x1x16384xf32, #tpu.memory_space<hbm>>
    %dma_wait3A_25 = tpu.memref_squeeze %dma_wait3A_24 : memref<1x1x16384xf32, #tpu.memory_space<hbm>> -> memref<16384xf32, #tpu.memory_space<hbm>>
    %dma_wait3A_26 = arith.constant 0 : i32
    %dma_wait3A_27 = tpu.memref_slice %arg3[%add3A, %dma_wait3A_22, %dma_wait3A_26] : memref<32x2x524288xf32, #tpu.memory_space<hbm>> -> memref<1x1x16384xf32, #tpu.memory_space<hbm>>
    %dma_wait3A_28 = tpu.memref_squeeze %dma_wait3A_27 : memref<1x1x16384xf32, #tpu.memory_space<hbm>> -> memref<16384xf32, #tpu.memory_space<hbm>>
    tpu.wait_dma2 semaphore(%arg12 : memref<!tpu.dma_semaphore, #tpu.memory_space<semaphore_mem>>) src(%arg4 : memref<16384xf32, #tpu.memory_space<vmem>>) dst(%dma_wait3A_28 : memref<16384xf32, #tpu.memory_space<hbm>>)
    %dma_wait3A_29 = arith.constant 0 : i32
    %dma_wait3A_30 = arith.constant 0 : i32
    %dma_wait3A_31 = tpu.memref_slice %arg3[%add3A, %dma_wait3A_29, %dma_wait3A_30] : memref<32x2x524288xf32, #tpu.memory_space<hbm>> -> memref<1x1x16384xf32, #tpu.memory_space<hbm>>
    %dma_wait3A_32 = tpu.memref_squeeze %dma_wait3A_31 : memref<1x1x16384xf32, #tpu.memory_space<hbm>> -> memref<16384xf32, #tpu.memory_space<hbm>>
    %dma_wait3A_33 = arith.constant 0 : i32
    %dma_wait3A_34 = tpu.memref_slice %arg3[%add3A, %dma_wait3A_29, %dma_wait3A_33] : memref<32x2x524288xf32, #tpu.memory_space<hbm>> -> memref<1x1x16384xf32, #tpu.memory_space<hbm>>
    %dma_wait3A_35 = tpu.memref_squeeze %dma_wait3A_34 : memref<1x1x16384xf32, #tpu.memory_space<hbm>> -> memref<16384xf32, #tpu.memory_space<hbm>>
    tpu.wait_dma2 semaphore(%arg11 : memref<!tpu.dma_semaphore, #tpu.memory_space<semaphore_mem>>) src(%arg5 : memref<16384xf32, #tpu.memory_space<vmem>>) dst(%dma_wait3A_35 : memref<16384xf32, #tpu.memory_space<hbm>>)
    %dma_wait3A_36 = arith.constant 1 : i32
    %dma_wait3A_37 = arith.constant 0 : i32
    %dma_wait3A_38 = tpu.memref_slice %arg3[%add3A, %dma_wait3A_36, %dma_wait3A_37] : memref<32x2x524288xf32, #tpu.memory_space<hbm>> -> memref<1x1x16384xf32, #tpu.memory_space<hbm>>
    %dma_wait3A_39 = tpu.memref_squeeze %dma_wait3A_38 : memref<1x1x16384xf32, #tpu.memory_space<hbm>> -> memref<16384xf32, #tpu.memory_space<hbm>>
    %dma_wait3A_40 = arith.constant 0 : i32
    %dma_wait3A_41 = tpu.memref_slice %arg3[%add3A, %dma_wait3A_36, %dma_wait3A_40] : memref<32x2x524288xf32, #tpu.memory_space<hbm>> -> memref<1x1x16384xf32, #tpu.memory_space<hbm>>
    %dma_wait3A_42 = tpu.memref_squeeze %dma_wait3A_41 : memref<1x1x16384xf32, #tpu.memory_space<hbm>> -> memref<16384xf32, #tpu.memory_space<hbm>>
    tpu.wait_dma2 semaphore(%arg12 : memref<!tpu.dma_semaphore, #tpu.memory_space<semaphore_mem>>) src(%arg5 : memref<16384xf32, #tpu.memory_space<vmem>>) dst(%dma_wait3A_42 : memref<16384xf32, #tpu.memory_space<hbm>>)
    return
  }
}

</mosaic_0001>

<sc_bundles>
// kernel: kernel.3.cloned.1.call-start
scs
__scs_entry_jumppad:
0x0: {  	(pc) =	sbr.rel $0x88, $3  }
0x1: {  	(tag) =	ssettag $0x0;
	lr =	simm.s32 $0x1  }
0x2: {  	[smem:$0x3FA0] =	sst lr;
	_ =	strace $0xD0000000  }
0x3: {  	_ = 	snop  }
0x4: {  	_ = 	snop  }
0x5: {  	_ = 	snop  }
0x6: {  	_ = 	snop  }
0x7: {  	_ = 	snop  }
__scs_overlays_trampoline_lowered:
0x8: {  	[smem:$0x3FAF] =	sst s0  }
0x9: {  	[smem:$0x3FB0] =	sst s1  }
0xa: {  	[smem:$0x3FB1] =	sst s2  }
0xb: {  	[smem:$0x3FB2] =	sst s3  }
0xc: {  	[smem:$0x3FB3] =	sst s4  }
0xd: {  	[smem:$0x3FB4] =	sst s5  }
0xe: {  	[smem:$0x3FB5] =	sst s6  }
0xf: {  	[smem:$0x3FB6] =	sst s7  }
0x10: {  	[smem:$0x3FB7] =	sst s8  }
0x11: {  	[smem:$0x3FB8] =	sst s9;
	s0 =	simm.s32 @!p0 $0x0  }
0x12: {  	s1 =	sld [smem:$0x3F9E];
	s0 =	simm.s32 @p0 $0x1  }
0x13: {  	[smem:$0x3FB9] =	sst s0;
	s0 =	simm.s32 @!p1 $0x0  }
0x14: {  	s2 =	sld [smem:$0x3F9D];
	s0 =	simm.s32 @p1 $0x1  }
0x15: {  	[smem:$0x3FBA] =	sst s0;
	s0 =	simm.s32 @!p2 $0x0  }
0x16: {  	s3 =	sld [smem:$0x3FDB];
	s0 =	simm.s32 @p2 $0x1  }
0x17: {  	s4 =	simm.s32 $0x1BF5;
	[smem:$0x3FBC] =	sst s0  }
0x18: {  	s0 =	sld [smem:$0x3F9F];
	_ =	swait.ge [sflag:s4], $0x0  }
0x19: {  	s7 =	sld [smem:$0x3FA0]  }
0x1a: {  	s8 =	sadd.s32 $0xFFFFE003, lr  }
0x1b: {  	s9 =	sadd.s32 $0xFFFFFEF7, lr;
	s5 =	simm.s32 $0xFFFFFFFF;
	p2 =	slt.u32 s8, $0xFFFFF086  }
0x1c: {  	p1 =	slt.u32 s9, $0xF7A;
	s5 =	simm.s32 @!p2 $0x0  }
0x1d: {  	s5 =	simm.s32 @p1 $0x1;
	p0 =	seq.s32 s7, s2  }
0x1e: {  	s7 =	smul.u32 @!p0 $0xF7A, s2;
	p2 =	seq.s32 @!p0 s5, $0x0  }
0x1f: {  	s9 =	smul.u32 $0xF7A, s1;
	s8 =	simm.s32 @!p0 $0x1BF5;
	p2 =	por !p2, p0  }
0x20: {  	[sflag:s8] =	ssyncset.s32 @!p0 $0xFFFFF086;
	s6 =	sadd.s32 @!p0 s3, s7;
	s7 =	simm.s32 @!p0 $0x108  }
0x21: {  	s3 =	sadd.s32 s3, s9;
	s6 =	sadd.s32 @!p0 $0x88, s6;
	s7 =	simm.s32 @p2 $0x1082  }
0x22: {  	[simem:s7], [sflag:s8] =	dma.local @!p0 [hbm:s6], $0xF7A  }
0x23: {  	s9 =	sor.u32 $0xD0000000, s2;
	s6 =	simm.s32 $0x108;
	_ =	swait.ge @!p0 [sflag:s8], $0x0  }
0x24: {  	s3 =	sadd.s32 $0x88, s3;
	s6 =	simm.s32 @!p1 $0x1082;
	[sflag:s4] =	ssyncset.s32 $0xFFFFF086  }
0x25: {  	[simem:s6], [sflag:s4] =	dma.local [hbm:s3], $0xF7A  }
0x26: {  	[smem:$0x3FA0] =	sst s1;
	(tag) =	ssettag s2;
	_ =	strace s9  }
0x27: {  	s1 =	sld [smem:$0x3FB0]  }
0x28: {  	s2 =	sld [smem:$0x3FB1]  }
0x29: {  	s4 =	sld [smem:$0x3FB3]  }
0x2a: {  	p0 =	seq.s32 s5, $0x0;
	s5 =	sld [smem:$0x3FB4]  }
0x2b: {  	s6 =	sld [smem:$0x3FB5]  }
0x2c: {  	s7 =	sld [smem:$0x3FB6]  }
0x2d: {  	s3 =	simm.s32 $0x108;
	s8 =	sld [smem:$0x3FB7]  }
0x2e: {  	s3 =	simm.s32 @!p0 $0x1082;
	s9 =	sld [smem:$0x3FB8]  }
0x2f: {  	lr =	sadd.s32 s0, s3;
	s0 =	sld [smem:$0x3FAF]  }
0x30: {  	s3 =	sld [smem:$0x3FB2]  }
0x31: {  	[smem:$0x3FBB] =	sst s10  }
0x32: {  	s10 =	sld [smem:$0x3FB9];
	_ =	sdelay $0x3  }
0x33: {  	p0 =	seq.s32 s10, $0x1;
	s10 =	sld [smem:$0x3FBB];
	_ =	sdelay $0x3  }
0x34: {  	[smem:$0x3FBB] =	sst s10  }
0x35: {  	s10 =	sld [smem:$0x3FBA];
	_ =	sdelay $0x3  }
0x36: {  	p1 =	seq.s32 s10, $0x1;
	s10 =	sld [smem:$0x3FBB];
	_ =	sdelay $0x3  }
0x37: {  	[smem:$0x3FBB] =	sst s10  }
0x38: {  	s10 =	sld [smem:$0x3FBC]  }
0x39: {  	_ = 	snop;
	(pc) =	sbr.ind lr, $3  }
0x3a: {  	_ = 	snop  }
0x3b: {  	_ = 	snop  }
0x3c: {  	p2 =	seq.s32 s10, $0x1;
	s10 =	sld [smem:$0x3FBB]  }
0x3d: {  	_ =	shalt  }
0x3e: {  	_ =	shalt  }
0x3f: {  	_ =	shalt  }
0x40: {  	_ =	shalt  }
0x41: {  	_ =	shalt  }
0x42: {  	_ =	shalt  }
0x43: {  	_ =	shalt  }
0x44: {  	_ =	shalt  }
0x45: {  	_ =	shalt  }
0x46: {  	_ =	shalt  }
0x47: {  	_ =	shalt  }
0x48: {  	_ =	shalt  }
0x49: {  	_ =	shalt  }
0x4a: {  	_ =	shalt  }
0x4b: {  	_ =	shalt  }
0x4c: {  	_ =	shalt  }
0x4d: {  	_ =	shalt  }
0x4e: {  	_ =	shalt  }
0x4f: {  	_ =	shalt  }
0x50: {  	_ =	shalt  }
0x51: {  	_ =	shalt  }
0x52: {  	_ =	shalt  }
0x53: {  	_ =	shalt  }
0x54: {  	_ =	shalt  }
0x55: {  	_ =	shalt  }
0x56: {  	_ =	shalt  }
0x57: {  	_ =	shalt  }
0x58: {  	_ =	shalt  }
0x59: {  	_ =	shalt  }
0x5a: {  	_ =	shalt  }
0x5b: {  	_ =	shalt  }
0x5c: {  	_ =	shalt  }
0x5d: {  	_ =	shalt  }
0x5e: {  	_ =	shalt  }
0x5f: {  	_ =	shalt  }
0x60: {  	_ =	shalt  }
0x61: {  	_ =	shalt  }
0x62: {  	_ =	shalt  }
0x63: {  	_ =	shalt  }
0x64: {  	_ =	shalt  }
0x65: {  	_ =	shalt  }
0x66: {  	_ =	shalt  }
0x67: {  	_ =	shalt  }
0x68: {  	_ =	shalt  }
0x69: {  	_ =	shalt  }
0x6a: {  	_ =	shalt  }
0x6b: {  	_ =	shalt  }
0x6c: {  	_ =	shalt  }
0x6d: {  	_ =	shalt  }
0x6e: {  	_ =	shalt  }
0x6f: {  	_ =	shalt  }
0x70: {  	_ =	shalt  }
0x71: {  	_ =	shalt  }
0x72: {  	_ =	shalt  }
0x73: {  	_ =	shalt  }
0x74: {  	_ =	shalt  }
0x75: {  	_ =	shalt  }
0x76: {  	_ =	shalt  }
0x77: {  	_ =	shalt  }
0x78: {  	_ =	shalt  }
0x79: {  	_ =	shalt  }
0x7a: {  	_ =	shalt  }
0x7b: {  	_ =	shalt  }
0x7c: {  	_ =	shalt  }
0x7d: {  	_ =	shalt  }
0x7e: {  	_ =	shalt  }
0x7f: {  	_ =	shalt  }
0x80: {  	_ =	shalt  }
0x81: {  	_ =	shalt  }
0x82: {  	_ =	shalt  }
0x83: {  	_ =	shalt  }
0x84: {  	_ =	shalt  }
0x85: {  	_ =	shalt  }
0x86: {  	_ =	shalt  }
0x87: {  	_ =	shalt  }
.Lfunc_end0:
.L_simem_size_0:
called_computation.1_lowered:
.L_overlay_start_0:
0x88: {  	s2 =	sld [smem:$0x3FD9]  }
0x89: {  	s3 =	sld [smem:$0x3FFE];
	_ =	sdelay $0x1  }
0x8a: {  	s1 =	srdreg.scid  }
0x8b: {  	s0 =	sand.u32 $0x1, s1  }
0x8c: {  	s17 =	sshll.u32 s0, $0xA;
	s2 =	sadd.s32 s3, s2  }
0x8d: {  	s2 =	sadd.s32 s2, s17  }
0x8e: {  	[smem:$0x3FC7] =	sst s2  }
0x8f: {  	_ = 	snop  }
0x90: {  	s2 =	sld [smem:$0x3FD0];
	(tm) =	ssettm $0x1  }
0x91: {  	s18 =	sld [smem:$0x3FFB];
	_ =	sdelay $0x3  }
0x92: {  	_ =	strace s18  }
0x93: {  	s3 =	sld [smem:$0x3FFC];
	_ =	sdelay $0x3  }
0x94: {  	_ =	strace s3  }
0x95: {  	s3 =	sld [smem:$0x3FFD];
	_ =	sdelay $0x3  }
0x96: {  	_ =	strace s3  }
0x97: {  	_ =	strace $0x8FFFFFFF  }
0x98: {  	s19 =	sld [smem:$0x3FDB];
	_ =	sdelay $0x1  }
0x99: {  	s4 =	simm.s32 $_scs_section_size  }
0x9a: {  	s5 =	simm.s32 $_size__tile_overlayer_lowered;
	s6 =	simm.s32 $_tile_overlayer_lowered  }
0x9b: {  	s22 =	simm.s32 $0x1BFF;
	s21 =	sshll.u32 s6, $0x1;
	s3 =	sadd.s32 s4, s19  }
0x9c: {  	s7 =	simm.s32 $0x0;
	s20 =	sshll.u32 s5, $0x1;
	s5 =	sadd.s32 s21, s3  }
0x9d: {  	[timem:s7], [sflag:s22] =	dma.local [hbm:s5], s20  }
0x9e: {  	_ =	swait.ge [sflag:s22], s20  }
0x9f: {  	s4 =	ssub.s32 $0x0, s20;
	[sflag:s22] =	ssyncset.done $0x0  }
0xa0: {  	[sflag:s22] =	ssyncadd.s32 s4;
	_ =	sdelay $0x1  }
0xa1: {  	s23 =	simm.s32 $0x1B8B  }
0xa2: {  	_ =	swait.ge [sflag:s23], $0x1  }
0xa3: {  	[sflag:s23] =	ssyncset.done $0x0  }
0xa4: {  	s25 =	simm.s32 $0x1B8E;
	s24 =	sld [smem:$0x3FFE];
	[sflag:s23] =	ssyncadd.s32 $0xFFFFFFFF  }
0xa5: {  	s26 =	simm.s32 $execute0_lowered;
	[smem:$0x3FD2] =	sst s25  }
0xa6: {  	s5 =	sshll.u32 s26, $0x1;
	_ =	strace $0x80000049;
	[dreg:$0x1] =	wrdreg $0xFFFFFFFF  }
0xa7: {  	s28 =	simm.s32 $_size_execute0_lowered;
	s3 =	sadd.s32 s3, s5;
	[dreg:$0x0] =	wrdreg $0x0  }
0xa8: {  	s5 =	sshll.u32 s28, $0x1;
	[dreg:$0x2] =	wrdreg s3  }
0xa9: {  	[dreg:$0x3] =	wrdreg s5  }
0xaa: {  	[dreg:$0x4] =	wrdreg $0xC0  }
0xab: {  	_ =	task [dreg:s7], $0x5FFFF  }
0xac: {  	[dreg:$0x1] =	wrdreg $0xFFFFFFFF  }
0xad: {  	[dreg:$0x0] =	wrdreg $0x60  }
0xae: {  	[dreg:$0x2] =	wrdreg s2  }
0xaf: {  	[dreg:$0x3] =	wrdreg s24  }
0xb0: {  	[dreg:$0x4] =	wrdreg $0x9  }
0xb1: {  	_ =	task.clear_ibuf [dreg:s7], $0x5FFFF;
	_ =	strace $0x90000049  }
0xb2: {  	s29 =	simm.s32 $0x9;
	_ =	strace $0x8000004B  }
0xb3: {  	_ =	swait.ge [sflag:s29], $0x1  }
0xb4: {  	[sflag:s29] =	ssyncadd.s32 $0xFFFFFFFF  }
0xb5: {  	_ =	strace $0x9000004B  }
0xb6: {  	_ =	sfence  }
0xb7: {  	s30 =	sld [smem:$0x0];
	_ =	sdelay $0x2  }
0xb8: {  	s31 =	sshll.u32 s1, $0xD;
	s1 =	sshrl.u32 s1, $0x2  }
0xb9: {  	s3 =	sand.u32 $0x4000, s31;
	s1 =	sadd.s32 s1, s30  }
0xba: {  	s0 =	sor.u32 s3, s0;
	s1 =	sshll.u32 s1, $0x11  }
0xbb: {  	s0 =	sor.u32 s1, s0  }
0xbc: {  	s0 =	sadd.s32 $0x8F2B, s0  }
0xbd: {  	[sflag:s0] =	ssyncadd.remote.s32 $0x1  }
0xbe: {  	_ =	sfence.sel $0xFFFF  }
0xbf: {  	[dreg:$0x0] =	wrdreg $0xFFFFFFFF;
	(pc) =	sbr.abs _section_cstart, $3  }
0xc0: {  	[dreg:$0x1] =	wrdreg $0xFFFFFFFF  }
0xc1: {  	_ =	task.clear_ibuf [dreg:s7], $0x2FFFF;
	_ =	strace $0x9FFFFFFF  }
0xc2: {  	(tm) =	ssettm $0x7FFFFFFF  }
0xc3: {  	_ =	shalt  }
tec
execute0_lowered:
.L_overlay_start_1:
0x0: {  	(tag) =	ssettag $0x1  }
0x1: {  	s0 =	rddreg [dreg:$0x0]  }
0x2: {  	s5 =	rddreg [dreg:$0x1];
	s3 =	srdreg.scid  }
0x3: {  	s1 =	stileid.u32;
	s2 =	simm.s32 $0x0;
	s28 =	simm.s32 $0x0  }
0x4: {  	s12 =	sand.u32 $0x1, s3;
	s21 =	sshll.u32 s1, $0x1;
	[smem:$0x7FF] =	sst s2  }
0x5: {  	s22 =	sshll.u32 s1, $0x14;
	s17 =	sadd.s32 $0x800, s5;
	s8 =	sshll.u32 s1, $0x8  }
0x6: {  	s15 =	sadd.s32 $0x810, s5;
	s18 =	sshll.u32 s1, $0x15;
	s6 =	sor.u32 s12, s21  }
0x7: {  	_ =	strace $0x8000004A;
	s7 =	ssub.s32 $0x2, s12;
	s9 =	sshll.u32 s12, $0x7  }
0x8: {  	s19 =	sshll.u32 s12, $0x14;
	s21 =	simm.s32 $0x400;
	s4 =	sshll.u32 s6, $0x7  }
0x9: {  	s23 =	sshrl.u32 s7, $0x1;
	s8 =	sor.u32 s9, s8;
	s13 =	sshll.u32 s6, $0x11  }
0xa: {  	s18 =	sor.u32 s19, s18;
	s4 =	sor.u32 s22, s4;
	s7 =	ssub.s32 s7, s23  }
0xb: {  	s16 =	sor.u32 s8, s22;
	s11 =	sor.u32 $0x1000, s13;
	s14 =	sor.u32 $0x1E000, s13  }
0xc: {  	s20 =	sor.u32 $0x1F000, s13;
	s19 =	sor.u32 $0x18000, s18;
	s18 =	sor.u32 $0x10000, s18  }
0xd: {  	s22 =	simm.s32 $0x4000;
	s23 =	simm.s32 $0x1;
	s10 =	sand.u32 $0xC00380, s4  }
0xe: {  	s5 =	smax.u32 s7, $0x1;
	s7 =	sadd.s32 s17, s13;
	s12 =	sadd.s32 s17, s14  }
0xf: {  	s19 =	sshrl.u32 s19, $0x3;
	s29 =	sand.u32 $0xC00380, s16;
	s18 =	sshrl.u32 s18, $0x3  }
0x10: {  	s24 =	sshrl.u32 s10, $0x3;
	s25 =	sor.u32 $0x40000, s10;
	s26 =	sor.u32 $0x60000, s10  }
0x11: {  	s10 =	sadd.s32 s17, s11;
	s11 =	sadd.s32 s11, s15;
	s16 =	sadd.s32 s19, s17  }
0x12: {  	s30 =	sor.u32 $0xA0000, s29;
	s3 =	sadd.s32 s0, s24;
	s8 =	sshrl.u32 s25, $0x3  }
0x13: {  	s9 =	sshrl.u32 s26, $0x3;
	s19 =	sshrl.u32 s30, $0x3;
	s24 =	simm.s32 $0x100  }
0x14: {  	s25 =	simm.s32 $0x2;
	s26 =	simm.s32 $0x3;
	s4 =	sadd.s32 $0x4000, s3  }
0x15: {  	s6 =	sadd.s32 s0, s8;
	s8 =	sadd.s32 s13, s15;
	s13 =	sadd.s32 s14, s15  }
0x16: {  	s14 =	sadd.s32 s17, s20;
	s15 =	sadd.s32 s20, s15;
	s20 =	sor.u32 $0x80000, s29  }
0x17: {  	s9 =	sadd.s32 s0, s9;
	s17 =	sadd.s32 s18, s17;
	s31 =	sshrl.u32 s20, $0x3  }
0x18: {  	s18 =	sadd.s32 s19, s0;
	s20 =	simm.s32 $0x80;
	s19 =	sadd.s32 s31, s0  }
.LBB2_1:
0x19: {  	[tilespmem:s2], [sflag:$0x1] =	stream.strided.gather [hbm4b:s3+s20], $0x4000, s21, s20, $0x38;
	[tilespmem:$0x8000] =	vst v63  }
0x1a: {  	_ = 	snop  }
0x1b: {  	[tilespmem:s22], [sflag:$0x1] =	stream.strided.gather [hbm4b:s4+s20], $0x4000, s21, s20, $0x38;
	[tilespmem:$0x8000] =	vst v63  }
0x1c: {  	_ =	swait.ge [sflag:s23], $0x4000  }
0x1d: {  	[sflag:s23] =	ssyncset.done $0x0  }
0x1e: {  	[sflag:s23] =	ssyncadd.s32 $0xFFFFC000  }
0x1f: {  	[tilespmem:s2], [sflag:$0x1] =	stream.strided.gather [hbm4b:s6+s20], $0x4000, s21, s20, $0x38;
	[tilespmem:$0x8000] =	vst v63  }
0x20: {  	_ = 	snop  }
0x21: {  	[hbm4b:s7+s20] =	stream.strided.scatter [tilespmem:s2], [sflag:$0x2], $0x4000, s24, s20, $0x38;
	[tilespmem:$0x8000] =	vst v63  }
0x22: {  	_ = 	snop  }
0x23: {  	[hbm4b:s8+s20] =	stream.strided.scatter [tilespmem:s2], [sflag:$0x3], $0x4000, s24, s20, $0x38;
	[tilespmem:$0x8000] =	vst v63  }
0x24: {  	_ =	swait.ge [sflag:s23], $0x4000  }
0x25: {  	[sflag:s23] =	ssyncset.done $0x0  }
0x26: {  	[sflag:s23] =	ssyncadd.s32 $0xFFFFC000  }
0x27: {  	[tilespmem:s22], [sflag:$0x1] =	stream.strided.gather [hbm4b:s9+s20], $0x4000, s21, s20, $0x38;
	[tilespmem:$0x8000] =	vst v63  }
0x28: {  	_ = 	snop  }
0x29: {  	[hbm4b:s10+s20] =	stream.strided.scatter [tilespmem:s22], [sflag:$0x2], $0x4000, s24, s20, $0x38;
	[tilespmem:$0x8000] =	vst v63  }
0x2a: {  	_ = 	snop  }
0x2b: {  	[hbm4b:s11+s20] =	stream.strided.scatter [tilespmem:s22], [sflag:$0x3], $0x4000, s24, s20, $0x38;
	[tilespmem:$0x8000] =	vst v63  }
0x2c: {  	_ =	swait.ge [sflag:s23], $0x4000  }
0x2d: {  	[sflag:s23] =	ssyncset.done $0x0  }
0x2e: {  	[sflag:s23] =	ssyncadd.s32 $0xFFFFC000  }
0x2f: {  	_ =	swait.ge [sflag:s25], $0x4000  }
0x30: {  	[sflag:s25] =	ssyncset.done $0x0  }
0x31: {  	[sflag:s25] =	ssyncadd.s32 $0xFFFFC000  }
0x32: {  	_ =	swait.ge [sflag:s26], $0x4000  }
0x33: {  	[sflag:s26] =	ssyncset.done $0x0  }
0x34: {  	[sflag:s26] =	ssyncadd.s32 $0xFFFFC000  }
0x35: {  	[tilespmem:s2], [sflag:$0x1] =	stream.strided.gather [hbm4b:s19+s20], $0x4000, s21, s20, $0x38;
	[tilespmem:$0x8000] =	vst v63  }
0x36: {  	s0 =	sadd.s32 $0x0, s17  }
0x37: {  	[hbm4b:s0+s20] =	stream.strided.scatter [tilespmem:s2], [sflag:$0x2], $0x4000, s24, s20, $0x38;
	[tilespmem:$0x8000] =	vst v63  }
0x38: {  	s0 =	sadd.s32 $0x10, s0  }
0x39: {  	[hbm4b:s0+s20] =	stream.strided.scatter [tilespmem:s2], [sflag:$0x3], $0x4000, s24, s20, $0x38;
	[tilespmem:$0x8000] =	vst v63  }
0x3a: {  	_ =	swait.ge [sflag:s23], $0x4000  }
0x3b: {  	[sflag:s23] =	ssyncset.done $0x0  }
0x3c: {  	[sflag:s23] =	ssyncadd.s32 $0xFFFFC000  }
0x3d: {  	_ =	swait.ge [sflag:s25], $0x4000  }
0x3e: {  	[sflag:s25] =	ssyncset.done $0x0  }
0x3f: {  	[sflag:s25] =	ssyncadd.s32 $0xFFFFC000  }
0x40: {  	_ =	swait.ge [sflag:s26], $0x4000  }
0x41: {  	[sflag:s26] =	ssyncset.done $0x0  }
0x42: {  	s1 =	sadd.s32 $0x0, s16;
	s29 =	simm.s32 $0x2000;
	[sflag:s26] =	ssyncadd.s32 $0xFFFFC000  }
0x43: {  	[tilespmem:s22], [sflag:$0x1] =	stream.strided.gather [hbm4b:s18+s20], $0x4000, s21, s20, $0x38;
	[tilespmem:$0x8000] =	vst v63  }
0x44: {  	s30 =	sadd.s32 $0x8000, s18;
	s31 =	sadd.s32 $0x8000, s19;
	s0 =	sadd.s32 $0x10, s1  }
0x45: {  	[hbm4b:s1+s20] =	stream.strided.scatter [tilespmem:s22], [sflag:$0x2], $0x4000, s24, s20, $0x38;
	[tilespmem:$0x8000] =	vst v63  }
.LBB2_2:
0x46: {  	[hbm4b:s0+s20] =	stream.strided.scatter [tilespmem:s22], [sflag:$0x3], $0x4000, s24, s20, $0x38;
	[tilespmem:$0x8000] =	vst v63  }
0x47: {  	s0 =	smov.u32 s29  }
0x48: {  	p0 =	sne.s32 s29, $0x1A000;
	s29 =	sadd.s32 $0x2000, s29;
	_ =	swait.ge [sflag:s23], $0x4000  }
0x49: {  	[sflag:s23] =	ssyncset.done $0x0  }
0x4a: {  	[sflag:s23] =	ssyncadd.s32 $0xFFFFC000  }
0x4b: {  	_ =	swait.ge [sflag:s25], $0x4000  }
0x4c: {  	[sflag:s25] =	ssyncset.done $0x0  }
0x4d: {  	[sflag:s25] =	ssyncadd.s32 $0xFFFFC000  }
0x4e: {  	_ =	swait.ge [sflag:s26], $0x4000  }
0x4f: {  	[sflag:s26] =	ssyncset.done $0x0  }
0x50: {  	[sflag:s26] =	ssyncadd.s32 $0xFFFFC000  }
0x51: {  	[tilespmem:s2], [sflag:$0x1] =	stream.strided.gather [hbm4b:s31+s20], $0x4000, s21, s20, $0x38;
	[tilespmem:$0x8000] =	vst v63  }
0x52: {  	s1 =	sadd.s32 s0, s17  }
0x53: {  	[hbm4b:s1+s20] =	stream.strided.scatter [tilespmem:s2], [sflag:$0x2], $0x4000, s24, s20, $0x38;
	[tilespmem:$0x8000] =	vst v63  }
0x54: {  	s1 =	sadd.s32 $0x10, s1  }
0x55: {  	[hbm4b:s1+s20] =	stream.strided.scatter [tilespmem:s2], [sflag:$0x3], $0x4000, s24, s20, $0x38;
	[tilespmem:$0x8000] =	vst v63  }
0x56: {  	_ =	swait.ge [sflag:s23], $0x4000  }
0x57: {  	[sflag:s23] =	ssyncset.done $0x0  }
0x58: {  	[sflag:s23] =	ssyncadd.s32 $0xFFFFC000  }
0x59: {  	_ =	swait.ge [sflag:s25], $0x4000  }
0x5a: {  	[sflag:s25] =	ssyncset.done $0x0  }
0x5b: {  	[sflag:s25] =	ssyncadd.s32 $0xFFFFC000  }
0x5c: {  	_ =	swait.ge [sflag:s26], $0x4000  }
0x5d: {  	[sflag:s26] =	ssyncset.done $0x0  }
.Ltmp0:
0x5e: {  	[sflag:s26] =	ssyncadd.s32 $0xFFFFC000;
	(pc) =	sbr.rel @p0 .LBB2_2-.Ltmp0, $4  }
0x5f: {  	[tilespmem:s22], [sflag:$0x1] =	stream.strided.gather [hbm4b:s30+s20], $0x4000, s21, s20, $0x38;
	[tilespmem:$0x8000] =	vst v63  }
0x60: {  	s0 =	sadd.s32 s0, s16  }
0x61: {  	[hbm4b:s0+s20] =	stream.strided.scatter [tilespmem:s22], [sflag:$0x2], $0x4000, s24, s20, $0x38;
	[tilespmem:$0x8000] =	vst v63  }
0x62: {  	s31 =	sadd.s32 $0x8000, s31;
	s30 =	sadd.s32 $0x8000, s30;
	s0 =	sadd.s32 $0x10, s0  }
0x63: {  	[hbm4b:s0+s20] =	stream.strided.scatter [tilespmem:s22], [sflag:$0x3], $0x4000, s24, s20, $0x38;
	[tilespmem:$0x8000] =	vst v63  }
0x64: {  	_ =	swait.ge [sflag:s23], $0x4000  }
0x65: {  	[sflag:s23] =	ssyncset.done $0x0  }
0x66: {  	[sflag:s23] =	ssyncadd.s32 $0xFFFFC000  }
0x67: {  	_ =	swait.ge [sflag:s25], $0x4000  }
0x68: {  	[sflag:s25] =	ssyncset.done $0x0  }
0x69: {  	[sflag:s25] =	ssyncadd.s32 $0xFFFFC000  }
0x6a: {  	_ =	swait.ge [sflag:s26], $0x4000  }
0x6b: {  	[sflag:s26] =	ssyncset.done $0x0  }
0x6c: {  	[sflag:s26] =	ssyncadd.s32 $0xFFFFC000  }
0x6d: {  	[hbm4b:s12+s20] =	stream.strided.scatter [tilespmem:s2], [sflag:$0x2], $0x4000, s24, s20, $0x38;
	[tilespmem:$0x8000] =	vst v63  }
0x6e: {  	_ = 	snop  }
0x6f: {  	[hbm4b:s13+s20] =	stream.strided.scatter [tilespmem:s2], [sflag:$0x3], $0x4000, s24, s20, $0x38;
	[tilespmem:$0x8000] =	vst v63  }
0x70: {  	_ =	swait.ge [sflag:s23], $0x4000  }
0x71: {  	[sflag:s23] =	ssyncset.done $0x0  }
0x72: {  	[sflag:s23] =	ssyncadd.s32 $0xFFFFC000  }
0x73: {  	_ =	swait.ge [sflag:s25], $0x4000  }
0x74: {  	[sflag:s25] =	ssyncset.done $0x0  }
0x75: {  	[sflag:s25] =	ssyncadd.s32 $0xFFFFC000  }
0x76: {  	_ =	swait.ge [sflag:s26], $0x4000  }
0x77: {  	[sflag:s26] =	ssyncset.done $0x0  }
0x78: {  	[sflag:s26] =	ssyncadd.s32 $0xFFFFC000  }
0x79: {  	[hbm4b:s14+s20] =	stream.strided.scatter [tilespmem:s22], [sflag:$0x2], $0x4000, s24, s20, $0x38;
	[tilespmem:$0x8000] =	vst v63  }
0x7a: {  	_ = 	snop  }
0x7b: {  	[hbm4b:s15+s20] =	stream.strided.scatter [tilespmem:s22], [sflag:$0x3], $0x4000, s24, s20, $0x38;
	[tilespmem:$0x8000] =	vst v63  }
0x7c: {  	_ =	swait.ge [sflag:s25], $0x4000  }
0x7d: {  	[sflag:s25] =	ssyncset.done $0x0  }
0x7e: {  	[sflag:s25] =	ssyncadd.s32 $0xFFFFC000  }
0x7f: {  	_ =	swait.ge [sflag:s26], $0x4000  }
0x80: {  	[sflag:s26] =	ssyncset.done $0x0  }
0x81: {  	s28 =	sadd.s32 $0x1, s28;
	[sflag:s26] =	ssyncadd.s32 $0xFFFFC000  }
0x82: {  	p0 =	sne.s32 s28, s5;
	_ =	swait.ge [sflag:s25], $0x4000  }
.Ltmp1:
0x83: {  	[sflag:s25] =	ssyncset.done $0x0;
	(pc) =	sbr.rel @p0 .LBB2_1-.Ltmp1, $4  }
0x84: {  	[sflag:s25] =	ssyncadd.s32 $0xFFFFC000  }
0x85: {  	_ =	swait.ge [sflag:s26], $0x4000  }
0x86: {  	[sflag:s26] =	ssyncset.done $0x0  }
0x87: {  	[sflag:s26] =	ssyncadd.s32 $0xFFFFC000  }
0x88: {  	_ =	sfence.sel $0x180000  }
0x89: {  	[bflag:$0x0] =	sbarrier.arrive $0xFFFF  }
0x8a: {  	_ =	strace $0x9000004A  }
0x8b: {  	s0 =	stileid.u32;
	[bflag:$0x2] =	sbarrier.arrive $0xFFFF  }
0x8c: {  	p0 =	sne.s32 s0, $0x0;
	s0 =	rddreg [dreg:$0x2]  }
0x8d: {  	s0 =	sadd.s32 @!p0 $0x100000, s0  }
0x8e: {  	[sflag:s0] =	ssyncadd.tile.s32 @!p0 $0x1;
	_ =	shalt  }
.Lfunc_end2:
_tile_overlayer_lowered:
.L_overlay_start_2:
0x8f: {  	(tag) =	ssettag $0x2  }
0x90: {  	s0 =	rddreg [dreg:$0x0];
	s2 =	stileid.u32  }
0x91: {  	s1 =	rddreg [dreg:$0x1];
	p0 =	sne.s32 s2, $0x0  }
0x92: {  	s3 =	rddreg [dreg:$0x2];
	[bflag:$0x3] =	sbarrier.arrive $0xFFFF;
	s2 =	simm.s32 @!p0 $0x1C04  }
0x93: {  	[timem:s3], [sflag:s2] =	dma.local @!p0 [hbm:s0], s1  }
0x94: {  	s0 =	simm.s32 @!p0 $0x4  }
0x95: {  	_ =	swait.ge @!p0 [sflag:s0], s1  }
0x96: {  	s1 =	ssub.s32 @!p0 $0x0, s1;
	[sflag:s0] =	ssyncset.done @!p0 $0x0  }
0x97: {  	[sflag:s0] =	ssyncadd.s32 @!p0 s1  }
0x98: {  	[bflag:$0x3] =	sbarrier.arrive $0xFFFF  }
0x99: {  	_ =	shalt  }

// kernel: sparse-core-data-format-call.cloned.1.call-start
scs
called_computation_lowered:
.L_overlay_start_0:
0x0: {  	s2 =	sld [smem:$0x3FD9]  }
0x1: {  	s3 =	sld [smem:$0x3FFE];
	_ =	sdelay $0x1  }
0x2: {  	s1 =	srdreg.scid  }
0x3: {  	s0 =	sand.u32 $0x1, s1  }
0x4: {  	s19 =	sshll.u32 s0, $0xA;
	s2 =	sadd.s32 s3, s2  }
0x5: {  	s2 =	sadd.s32 s2, s19  }
0x6: {  	[smem:$0x3FC7] =	sst s2  }
0x7: {  	_ = 	snop  }
0x8: {  	s2 =	sld [smem:$0x3FC9]  }
0x9: {  	s20 =	sld [smem:$0x3FD0];
	(tm) =	ssettm $0x1  }
0xa: {  	s4 =	sld [smem:$0x3FFB];
	_ =	sdelay $0x3  }
0xb: {  	_ =	strace s4  }
0xc: {  	s4 =	sld [smem:$0x3FFC];
	_ =	sdelay $0x3  }
0xd: {  	_ =	strace s4  }
0xe: {  	s4 =	sld [smem:$0x3FFD];
	_ =	sdelay $0x3  }
0xf: {  	_ =	strace s4  }
0x10: {  	_ =	strace $0x8FFFFFFF  }
0x11: {  	s21 =	sld [smem:$0x3FDB];
	_ =	sdelay $0x1  }
0x12: {  	s5 =	simm.s32 $_scs_section_size  }
0x13: {  	s6 =	simm.s32 $_size__tile_overlayer_lowered;
	s7 =	simm.s32 $_tile_overlayer_lowered  }
0x14: {  	s24 =	simm.s32 $0x1BFF;
	s23 =	sshll.u32 s7, $0x1;
	s4 =	sadd.s32 s5, s21  }
0x15: {  	s8 =	simm.s32 $0x0;
	s22 =	sshll.u32 s6, $0x1;
	s6 =	sadd.s32 s23, s4  }
0x16: {  	[timem:s8], [sflag:s24] =	dma.local [hbm:s6], s22  }
0x17: {  	_ =	swait.ge [sflag:s24], s22  }
0x18: {  	s5 =	ssub.s32 $0x0, s22;
	[sflag:s24] =	ssyncset.done $0x0  }
0x19: {  	[sflag:s24] =	ssyncadd.s32 s5;
	_ =	sdelay $0x1  }
0x1a: {  	s25 =	simm.s32 $0x1B8B  }
0x1b: {  	_ =	swait.ge [sflag:s25], $0x1  }
0x1c: {  	[sflag:s25] =	ssyncset.done $0x0  }
0x1d: {  	s26 =	simm.s32 $0x1B8E;
	[sflag:s25] =	ssyncadd.s32 $0xFFFFFFFF  }
0x1e: {  	s27 =	simm.s32 $execute0_lowered;
	[smem:$0x3FD2] =	sst s26  }
0x1f: {  	s5 =	sshll.u32 s27, $0x1;
	_ =	strace $0x80000046;
	[dreg:$0x1] =	wrdreg $0xFFFFFFFF  }
0x20: {  	s28 =	simm.s32 $_size_execute0_lowered;
	s4 =	sadd.s32 s4, s5;
	[dreg:$0x0] =	wrdreg $0x0  }
0x21: {  	s5 =	sshll.u32 s28, $0x1;
	[dreg:$0x2] =	wrdreg s4  }
0x22: {  	[dreg:$0x3] =	wrdreg s5  }
0x23: {  	[dreg:$0x4] =	wrdreg $0xC0  }
0x24: {  	_ =	task [dreg:s8], $0x5FFFF  }
0x25: {  	[dreg:$0x1] =	wrdreg $0xFFFFFFFF  }
0x26: {  	[dreg:$0x0] =	wrdreg $0x60  }
0x27: {  	[dreg:$0x2] =	wrdreg s2  }
0x28: {  	[dreg:$0x3] =	wrdreg s20  }
0x29: {  	[dreg:$0x4] =	wrdreg $0x9  }
0x2a: {  	_ =	task.clear_ibuf [dreg:s8], $0x5FFFF;
	_ =	strace $0x90000046  }
0x2b: {  	s29 =	simm.s32 $0x9;
	_ =	strace $0x80000048  }
0x2c: {  	_ =	swait.ge [sflag:s29], $0x1  }
0x2d: {  	[sflag:s29] =	ssyncadd.s32 $0xFFFFFFFF  }
0x2e: {  	_ =	strace $0x90000048  }
0x2f: {  	_ =	sfence  }
0x30: {  	s30 =	sld [smem:$0x0];
	_ =	sdelay $0x2  }
0x31: {  	s31 =	sshll.u32 s1, $0xD;
	s1 =	sshrl.u32 s1, $0x2  }
0x32: {  	s3 =	sand.u32 $0x4000, s31;
	s1 =	sadd.s32 s1, s30  }
0x33: {  	s0 =	sor.u32 s3, s0;
	s1 =	sshll.u32 s1, $0x11  }
0x34: {  	s0 =	sor.u32 s1, s0  }
0x35: {  	s0 =	sadd.s32 $0x8F2B, s0  }
0x36: {  	[sflag:s0] =	ssyncadd.remote.s32 $0x1  }
0x37: {  	_ =	sfence.sel $0xFFFF  }
0x38: {  	[dreg:$0x0] =	wrdreg $0xFFFFFFFF;
	(pc) =	sbr.abs _section_cstart, $3  }
0x39: {  	[dreg:$0x1] =	wrdreg $0xFFFFFFFF  }
0x3a: {  	_ =	task.clear_ibuf [dreg:s8], $0x2FFFF;
	_ =	strace $0x9FFFFFFF  }
0x3b: {  	(tm) =	ssettm $0x7FFFFFFF  }
tec
execute0_lowered:
.L_overlay_start_1:
0x0: {  	(tag) =	ssettag $0x1  }
0x1: {  	s2 =	rddreg [dreg:$0x0]  }
0x2: {  	s3 =	rddreg [dreg:$0x1]  }
0x3: {  	s1 =	srdreg.scid;
	s0 =	rddreg [dreg:$0x2];
	_ =	strace $0x80000047  }
0x4: {  	s5 =	simm.s32 $0x1;
	s7 =	simm.s32 $0x2;
	s13 =	simm.s32 $0x0  }
0x5: {  	p0 =	por $0x0, $0x0;
	s8 =	simm.s32 $0x400;
	s14 =	simm.s32 $0x0  }
.Ltmp0:
0x6: {  	s15 =	simm.s32 $0x0;
	s4 =	sshll.u32 s1, $0x4;
	(pc) =	sbr.rel .LBB1_1-.Ltmp0, $4  }
0x7: {  	s10 =	simm.s32 $0x0;
	s1 =	stileid.u32;
	s4 =	sand.u32 $0x10, s4  }
0x8: {  	s9 =	simm.s32 $0x0;
	[sflag:s5] =	ssyncpa.u1 $0x0;
	s6 =	sor.u32 s1, s4  }
0x9: {  	[sflag:s7] =	ssyncpa.u1 $0x0;
	s4 =	sand.u32 $0x3, s1;
	s6 =	sshrl.u32 s6, $0x2  }
0xa: {  	s7 =	simm.s32 $0x80;
	s12 =	smov.u32 s4;
	s11 =	smov.u32 s6  }
.LBB1_5:
0xb: {  	s16 =	sadd.s32 $0x80, s10  }
0xc: {  	s13 =	sadd.s32 $0x8, s11;
	s17 =	smov.u32 s11;
	p2 =	sgt.s32 s16, $0xFFF  }
0xd: {  	s17 =	smov.u32 @p2 s13  }
0xe: {  	s19 =	smov.u32 s12;
	s13 =	sadd.s32 $0x4, s12;
	p3 =	sgt.s32 s17, $0x7  }
0xf: {  	p1 =	slt.u32 s9, $0x2;
	s19 =	smov.u32 @p3 s13  }
0x10: {  	s9 =	sadd.s32 $0x1, s9;
	s16 =	simm.s32 @p2 $0x0;
	p2 =	sgt.s32 s19, $0x3  }
0x11: {  	s19 =	smov.u32 @p2 s4;
	p2 =	sne.s32 s9, $0x22  }
.Ltmp1:
0x12: {  	s18 =	simm.s32 @!p1 $0x2;
	(pc) =	sbr.rel @!p2 .LBB1_6-.Ltmp1, $4  }
0x13: {  	s14 =	smov.u32 s11;
	_ =	swait.ge @!p1 [sflag:s18], $0x4000  }
0x14: {  	s15 =	smov.u32 s12;
	p0 =	por !p0, !p0;
	[sflag:s18] =	ssyncset.done @!p1 $0x0  }
0x15: {  	s17 =	smov.u32 @p3 s6;
	s13 =	smov.u32 s10;
	[sflag:s18] =	ssyncadd.s32 @!p1 $0xFFFFC000  }
0x16: {  	s10 =	smov.u32 s16;
	s11 =	smov.u32 s17;
	s12 =	smov.u32 s19  }
.LBB1_1:
0x17: {  	p1 =	sgt.u32 s9, $0x1F  }
0x18: {  	s16 =	sxor.u32 @!p1 $0xFFFFFFFF, s9;
	s17 =	sshll.u32 @!p1 s12, $0x13  }
0x19: {  	s18 =	sshll.u32 @!p1 s11, $0x10;
	s19 =	sshll.u32 @!p1 s10, $0x4;
	s17 =	sadd.s32 @!p1 s2, s17  }
0x1a: {  	s16 =	sshll.u32 @!p1 s16, $0xE;
	s19 =	sand.u32 @!p1 $0xFFF0, s19;
	s17 =	sadd.s32 @!p1 s18, s17  }
0x1b: {  	s16 =	sand.u32 @!p1 $0x4000, s16;
	s18 =	simm.s32 @!p1 $0x0;
	s17 =	sadd.s32 @!p1 s19, s17  }
0x1c: {  	[tilespmem:s16], [sflag:$0x1] =	stream.linear.gather @!p1 [hbm4b:s17+s18], $0x4000, $0x38;
	[tilespmem:$0x10000] =	vst v63  }
0x1d: {  	p1 =	seq.s32 s9, $0x0  }
0x1e: {  	p2 =	seq.s32 @!p1 s9, $0x21  }
0x1f: {  	p1 =	por p1, p2  }
.Ltmp2:
0x20: {  	_ = 	snop;
	(pc) =	sbr.rel @p1 .LBB1_5-.Ltmp2, $1  }
0x21: {  	_ =	sdelay $0x3  }
0x22: {  	s16 =	simm.s32 $0x1  }
0x23: {  	s16 =	simm.s32 @!p0 $0x0  }
0x24: {  	s16 =	sshll.u32 s16, $0xE  }
0x25: {  	s17 =	sor.u32 $0x40, s16  }
0x26: {  	v1 =	vmov s17;
	_ =	sdelay $0x1  }
0x27: {  	_ =	swait.ge [sflag:s5], $0x4000  }
0x28: {  	[sflag:s5] =	ssyncset.done $0x0  }
0x29: {  	[sflag:s5] =	ssyncadd.s32 $0xFFFFC000;
	s17 =	simm.s32 $0x0  }
0x2a: {  	s16 =	sor.u32 $0x8070, s16;
	v7 =	vld.idx.msk [tilespmem:v1+s17+$0x30 ss:$0x1], $0xffff  }
0x2b: {  	v0 =	vmov s16;
	v8 =	vld.idx.msk [tilespmem:v1+s17+$0xFFFFFFC0 ss:$0x1], $0xffff  }
0x2c: {  	v6 =	vld.idx.msk [tilespmem:v1+s17+$0xFFFFFFD0 ss:$0x1], $0xffff  }
0x2d: {  	v4 =	vld.idx.msk [tilespmem:v1+s17+$0xFFFFFFE0 ss:$0x1], $0xffff  }
0x2e: {  	v2 =	vld.idx.msk [tilespmem:v1+s17+$0xFFFFFFF0 ss:$0x1], $0xffff  }
0x2f: {  	s31 =	sshll.u32 s9, $0xE;
	v3 =	vld.idx.msk [tilespmem:v1+s17+$0x0 ss:$0x1], $0xffff  }
0x30: {  	s16 =	sand.u32 $0x4000, s31;
	v5 =	vld.idx.msk [tilespmem:v1+s17+$0x10 ss:$0x1], $0xffff;
	[tilespmem:v0+s17+$0x0 ss:$0x1] =	vst.idx.msk $0xffff, v7  }
0x31: {  	s18 =	simm.s32 $0x80;
	s19 =	simm.s32 $0x400;
	s16 =	sor.u32 $0x8000, s16;
	[tilespmem:v0+s17+$0xFFFFFF90 ss:$0x1] =	vst.idx.msk $0xffff, v8;
	v7 =	vld.idx.msk [tilespmem:v1+s17+$0x20 ss:$0x1], $0xffff  }
.LBB1_3:
0x32: {  	p1 =	sne.s32 s19, $0xFE00;
	v8 =	vld.idx.msk [tilespmem:v1+s18+$0x30 ss:$0x1], $0xffff;
	[tilespmem:v0+s17+$0xFFFFFFA0 ss:$0x1] =	vst.idx.msk $0xffff, v6  }
0x33: {  	v9 =	vld.idx.msk [tilespmem:v1+s18+$0xFFFFFFC0 ss:$0x1], $0xffff;
	[tilespmem:v0+s17+$0xFFFFFFB0 ss:$0x1] =	vst.idx.msk $0xffff, v4  }
0x34: {  	v6 =	vld.idx.msk [tilespmem:v1+s18+$0xFFFFFFD0 ss:$0x1], $0xffff;
	[tilespmem:v0+s17+$0xFFFFFFC0 ss:$0x1] =	vst.idx.msk $0xffff, v2  }
.Ltmp3:
0x35: {  	v4 =	vld.idx.msk [tilespmem:v1+s18+$0xFFFFFFE0 ss:$0x1], $0xffff;
	[tilespmem:v0+s17+$0xFFFFFFD0 ss:$0x1] =	vst.idx.msk $0xffff, v3;
	(pc) =	sbr.rel @p1 .LBB1_3-.Ltmp3, $4  }
0x36: {  	v2 =	vld.idx.msk [tilespmem:v1+s18+$0xFFFFFFF0 ss:$0x1], $0xffff;
	[tilespmem:v0+s17+$0xFFFFFFE0 ss:$0x1] =	vst.idx.msk $0xffff, v5  }
0x37: {  	v3 =	vld.idx.msk [tilespmem:v1+s18+$0x0 ss:$0x1], $0xffff;
	[tilespmem:v0+s17+$0xFFFFFFF0 ss:$0x1] =	vst.idx.msk $0xffff, v7;
	s17 =	smov.u32 s18  }
0x38: {  	v5 =	vld.idx.msk [tilespmem:v1+s17+$0x10 ss:$0x1], $0xffff;
	[tilespmem:v0+s17+$0x0 ss:$0x1] =	vst.idx.msk $0xffff, v8  }
0x39: {  	s18 =	sshra.s32 s19, $0x2;
	s19 =	sadd.s32 $0x200, s19;
	[tilespmem:v0+s17+$0xFFFFFF90 ss:$0x1] =	vst.idx.msk $0xffff, v9;
	v7 =	vld.idx.msk [tilespmem:v1+s17+$0x20 ss:$0x1], $0xffff  }
0x3a: {  	_ =	sdelay $0x3  }
0x3b: {  	[tilespmem:v0+s17+$0xFFFFFFA0 ss:$0x1] =	vst.idx.msk $0xffff, v6  }
0x3c: {  	v56 =	vld.idx.msk [tilespmem:v1+s18+$0x30 ss:$0x1], $0xffff;
	[tilespmem:v0+s17+$0xFFFFFFB0 ss:$0x1] =	vst.idx.msk $0xffff, v4  }
0x3d: {  	v57 =	vld.idx.msk [tilespmem:v1+s18+$0xFFFFFFC0 ss:$0x1], $0xffff;
	[tilespmem:v0+s17+$0xFFFFFFC0 ss:$0x1] =	vst.idx.msk $0xffff, v2  }
0x3e: {  	v58 =	vld.idx.msk [tilespmem:v1+s18+$0xFFFFFFD0 ss:$0x1], $0xffff;
	[tilespmem:v0+s17+$0xFFFFFFD0 ss:$0x1] =	vst.idx.msk $0xffff, v3  }
0x3f: {  	v59 =	vld.idx.msk [tilespmem:v1+s18+$0xFFFFFFE0 ss:$0x1], $0xffff;
	[tilespmem:v0+s17+$0xFFFFFFE0 ss:$0x1] =	vst.idx.msk $0xffff, v5  }
0x40: {  	v60 =	vld.idx.msk [tilespmem:v1+s18+$0xFFFFFFF0 ss:$0x1], $0xffff;
	[tilespmem:v0+s17+$0xFFFFFFF0 ss:$0x1] =	vst.idx.msk $0xffff, v7  }
0x41: {  	v61 =	vld.idx.msk [tilespmem:v1+s18+$0x0 ss:$0x1], $0xffff;
	[tilespmem:v0+s18+$0x0 ss:$0x1] =	vst.idx.msk $0xffff, v56  }
0x42: {  	v62 =	vld.idx.msk [tilespmem:v1+s18+$0x10 ss:$0x1], $0xffff;
	[tilespmem:v0+s18+$0xFFFFFF90 ss:$0x1] =	vst.idx.msk $0xffff, v57  }
0x43: {  	v63 =	vld.idx.msk [tilespmem:v1+s18+$0x20 ss:$0x1], $0xffff;
	[tilespmem:v0+s18+$0xFFFFFFA0 ss:$0x1] =	vst.idx.msk $0xffff, v58  }
0x44: {  	[tilespmem:v0+s18+$0xFFFFFFB0 ss:$0x1] =	vst.idx.msk $0xffff, v59  }
.Ltmp4:
0x45: {  	s15 =	sshll.u32 s15, $0x13;
	[tilespmem:v0+s18+$0xFFFFFFC0 ss:$0x1] =	vst.idx.msk $0xffff, v60;
	(pc) =	sbr.rel .LBB1_5-.Ltmp4, $4  }
0x46: {  	s13 =	sshll.u32 s13, $0x7;
	s14 =	sshll.u32 s14, $0x4;
	s15 =	sadd.s32 s3, s15;
	[tilespmem:v0+s18+$0xFFFFFFD0 ss:$0x1] =	vst.idx.msk $0xffff, v61  }
0x47: {  	s14 =	sand.u32 $0x70, s14;
	s13 =	sadd.s32 s13, s15;
	[tilespmem:v0+s18+$0xFFFFFFE0 ss:$0x1] =	vst.idx.msk $0xffff, v62  }
0x48: {  	s13 =	sadd.s32 s14, s13;
	[tilespmem:v0+s18+$0xFFFFFFF0 ss:$0x1] =	vst.idx.msk $0xffff, v63  }
0x49: {  	[hbm4b:s13+s7] =	stream.strided.scatter [tilespmem:s16], [sflag:$0x2], $0x4000, s8, s7, $0x38;
	[tilespmem:$0x10000] =	vst v63  }
.LBB1_6:
0x4a: {  	_ =	sfence.sel $0x180000  }
0x4b: {  	s2 =	simm.s32 $0x1;
	[bflag:$0x0] =	sbarrier.arrive $0xFFFF  }
0x4c: {  	s31 =	simm.s32 $0x2;
	[sflag:s2] =	ssyncpa.u1 $0x1  }
0x4d: {  	[sflag:s31] =	ssyncpa.u1 $0x1  }
0x4e: {  	p0 =	sne.s32 s1, $0x0;
	_ =	strace $0x90000047  }
0x4f: {  	s0 =	sadd.s32 @!p0 $0x100000, s0;
	[bflag:$0x2] =	sbarrier.arrive $0xFFFF  }
0x50: {  	[sflag:s0] =	ssyncadd.tile.s32 @!p0 $0x1;
	_ =	shalt  }
.Lfunc_end1:
_tile_overlayer_lowered:
.L_overlay_start_2:
0x51: {  	(tag) =	ssettag $0x2  }
0x52: {  	s0 =	rddreg [dreg:$0x0];
	s2 =	stileid.u32  }
0x53: {  	s1 =	rddreg [dreg:$0x1];
	p0 =	sne.s32 s2, $0x0  }
0x54: {  	s3 =	rddreg [dreg:$0x2];
	[bflag:$0x3] =	sbarrier.arrive $0xFFFF;
	s2 =	simm.s32 @!p0 $0x1C01  }
0x55: {  	[timem:s3], [sflag:s2] =	dma.local @!p0 [hbm:s0], s1  }
0x56: {  	s0 =	simm.s32 @!p0 $0x1  }
0x57: {  	_ =	swait.ge @!p0 [sflag:s0], s1  }
0x58: {  	s1 =	ssub.s32 @!p0 $0x0, s1;
	[sflag:s0] =	ssyncset.done @!p0 $0x0  }
0x59: {  	[sflag:s0] =	ssyncadd.s32 @!p0 s1  }
0x5a: {  	[bflag:$0x3] =	sbarrier.arrive $0xFFFF  }
0x5b: {  	_ =	shalt  }

</sc_bundles>
